<compile_context>
chip_gen: v7x
topology: tpu7x:2x2x1
jax: 0.10.2.dev20260603
libtpu: 0.0.44.dev20260713+nightly
codegen_flags: <defaults>
</compile_context>

<pallas_src>
import functools

import jax
import jax.numpy as jnp
from jax import lax
from jax.experimental import pallas as pl
from jax.experimental.pallas import tpu as pltpu
from jax.experimental.pallas import tpu_sc as plsc

N_NODES = 10000
N_EDGES = 160000
MAX_Z = 94
N_ORB = 37
EMB = 16
D_OUT = N_ORB * EMB

LANES = 16


def _gather_zj_sc(z, idx_j):
    info = plsc.get_sparse_core_info()
    nc, ns = info.num_cores, info.num_subcores
    nw = nc * ns
    epw = N_EDGES // nw
    n_iters = (epw + LANES - 1) // LANES
    buf = n_iters * LANES + LANES

    mesh = plsc.VectorSubcoreMesh(core_axis_name="c", subcore_axis_name="s")

    @functools.partial(
        pl.kernel,
        mesh=mesh,
        compiler_params=pltpu.CompilerParams(needs_layout_passes=False),
        out_type=jax.ShapeDtypeStruct((N_EDGES,), jnp.int32),
        scratch_types=[
            pltpu.VMEM((N_NODES,), jnp.int32),
            pltpu.VMEM((buf,), jnp.int32),
            pltpu.VMEM((buf,), jnp.int32),
        ],
    )
    def zj_kernel(z_hbm, idx_hbm, zj_hbm, z_v, idx_v, out_v):
        wid = lax.axis_index("s") * nc + lax.axis_index("c")
        base = wid * epw
        pltpu.sync_copy(z_hbm, z_v)
        pltpu.sync_copy(idx_hbm.at[pl.ds(base, epw)], idx_v.at[pl.ds(0, epw)])
        idx_v[pl.ds(epw, LANES)] = jnp.zeros((LANES,), jnp.int32)

        def body(i, carry):
            idx16 = idx_v[pl.ds(i * LANES, LANES)]
            out_v[pl.ds(i * LANES, LANES)] = plsc.load_gather(z_v, [idx16])
            return carry

        lax.fori_loop(0, n_iters, body, 0)
        pltpu.sync_copy(out_v.at[pl.ds(0, epw)], zj_hbm.at[pl.ds(base, epw)])

    return zj_kernel(z, idx_j)


_BE = 6400
_NB = N_EDGES // _BE


def _expand_tc_body(zj_ref, val_ref, out_ref):
    zjb = jnp.broadcast_to(zj_ref[0], (MAX_Z, _BE))
    onehot_t = (zjb == lax.broadcasted_iota(jnp.int32, (MAX_Z, _BE), 0)).astype(
        jnp.bfloat16
    )
    m = lax.dot_general(
        val_ref[...].astype(jnp.bfloat16),
        onehot_t,
        dimension_numbers=(((0,), (0,)), ((), ())),
        preferred_element_type=jnp.float32,
    )
    out_ref[...] = jnp.broadcast_to(m[:, None, :], (N_ORB, EMB, _BE))


def _expand_tc(zj, valence):
    out_t = pl.pallas_call(
        _expand_tc_body,
        grid=(_NB,),
        in_specs=[
            pl.BlockSpec((1, 1, _BE), lambda i: (i, 0, 0)),
            pl.BlockSpec((MAX_Z, N_ORB), lambda i: (0, 0)),
        ],
        out_specs=pl.BlockSpec((N_ORB, EMB, _BE), lambda i: (0, 0, i)),
        out_shape=jax.ShapeDtypeStruct((N_ORB, EMB, N_EDGES), jnp.float32),
    )(zj.reshape(_NB, 1, _BE), valence)
    return jnp.transpose(out_t, (2, 0, 1))


def kernel(z, idx_j, valence):
    zj = _gather_zj_sc(z, idx_j)
    return _expand_tc(zj, valence)

# --- scband reference (transcript-rebuilt; emitter-appended) ---
"""Pipeline reference for scband-valence-mask-38998303048480 (READ-ONLY COPY).

The authoritative reference and input builder live on the scoring server;
editing this copy changes nothing except your own understanding.
"""

import jax, jax.numpy as jnp
import numpy as np

N_NODES = 10000
N_EDGES = 160000
MAX_Z = 94  # number of rows in the valence table (atomic numbers 0..93)
N_ORB = 37
EMB_SIZE = 16


def setup_inputs(seed: int = 0) -> dict:
    key = jax.random.key(seed)
    k1, k2, k3 = jax.random.split(key, 3)
    # atomic numbers of each node (N,)
    z = jax.random.randint(k1, (N_NODES,), 0, MAX_Z, dtype=jnp.int32)
    # destination node index of each edge (E,)
    idx_j = jax.random.randint(k2, (N_EDGES,), 0, N_NODES, dtype=jnp.int32)
    # registered buffer: binary valence-orbital mask table, one row per atomic number
    valence = jax.random.bernoulli(k3, 0.4, (MAX_Z, N_ORB)).astype(jnp.float32)
    return {"z": z, "idx_j": idx_j, "valence": valence}


def reference(z, idx_j, valence):
    # valence_mask = self.valence[z]  -> (N, n_orb)
    valence_mask = jnp.take(valence, z, axis=0)
    # .unsqueeze(-1).expand(-1, -1, emb_size) -> (N, n_orb, emb_size)
    valence_mask = jnp.broadcast_to(
        valence_mask[:, :, None], (valence_mask.shape[0], N_ORB, EMB_SIZE)
    )
    # [idx_j] -> (E, n_orb, emb_size)
    return jnp.take(valence_mask, idx_j, axis=0)

if __name__ == "__main__":
    import jax
    _d = setup_inputs()
    print(jax.jit(kernel)(*tuple(_d.values())))

</pallas_src>

<mosaic_0001>
#map = affine_map<(d0, d1) -> (0)>
module attributes {stable_mosaic.version = 14 : i64} {
  func.func @zj_kernel(%arg0: i32, %arg1: i32, %arg2: memref<10000xi32, #tpu.memory_space<hbm>>, %arg3: memref<160000xi32, #tpu.memory_space<hbm>>, %arg4: memref<160000xi32, #tpu.memory_space<hbm>>, %arg5: memref<10000xi32, #tpu.memory_space<vmem>>, %arg6: memref<5024xi32, #tpu.memory_space<vmem>>, %arg7: memref<5024xi32, #tpu.memory_space<vmem>>) attributes {dimension_semantics = [#tpu.dimension_semantics<core_parallel>, #tpu.dimension_semantics<subcore_parallel>], iteration_bounds = array<i64: 2, 16>, scalar_prefetch = 0 : i64, scratch_operands = 3 : i64, tpu.core_type = #tpu.core_type<sc_vector_subcore>, window_params = [{transform_indices = #map}, {transform_indices = #map}, {transform_indices = #map}]} {
    %mul3A = arith.constant 2 : i32
    %mul3A_0 = arith.muli %arg1, %mul3A : i32
    %add3A = arith.addi %mul3A_0, %arg0 : i32
    %mul3A_1 = arith.constant 5000 : i32
    %mul3A_2 = arith.muli %add3A, %mul3A_1 : i32
    "tpu.region"() ({
      %run_scoped3A = tpu.sem_alloc : memref<!tpu.dma_semaphore, #tpu.memory_space<semaphore_mem>>
      tpu.enqueue_dma source(%arg2 : memref<10000xi32, #tpu.memory_space<hbm>>) target(%arg5 : memref<10000xi32, #tpu.memory_space<vmem>>) target_semaphore(%run_scoped3A : memref<!tpu.dma_semaphore, #tpu.memory_space<semaphore_mem>>)
      tpu.wait_dma2 semaphore(%run_scoped3A : memref<!tpu.dma_semaphore, #tpu.memory_space<semaphore_mem>>) src(%arg2 : memref<10000xi32, #tpu.memory_space<hbm>>) dst(%arg5 : memref<10000xi32, #tpu.memory_space<vmem>>)
      tpu.yield
    }) : () -> ()
    "tpu.region"() ({
      %run_scoped3A = tpu.sem_alloc : memref<!tpu.dma_semaphore, #tpu.memory_space<semaphore_mem>>
      %dma_start3A = arith.constant 0 : i32
      %dma_start3A_10 = tpu.memref_slice %arg6[%dma_start3A] : memref<5024xi32, #tpu.memory_space<vmem>> -> memref<5000xi32, #tpu.memory_space<vmem>>
      %dma_start3A_11 = tpu.memref_slice %arg3[%mul3A_2] : memref<160000xi32, #tpu.memory_space<hbm>> -> memref<5000xi32, #tpu.memory_space<hbm>>
      %dma_start3A_12 = arith.constant 0 : i32
      %dma_start3A_13 = tpu.memref_slice %arg6[%dma_start3A_12] : memref<5024xi32, #tpu.memory_space<vmem>> -> memref<5000xi32, #tpu.memory_space<vmem>>
      %dma_start3A_14 = tpu.memref_slice %arg3[%mul3A_2] : memref<160000xi32, #tpu.memory_space<hbm>> -> memref<5000xi32, #tpu.memory_space<hbm>>
      tpu.enqueue_dma source(%dma_start3A_14 : memref<5000xi32, #tpu.memory_space<hbm>>) target(%dma_start3A_13 : memref<5000xi32, #tpu.memory_space<vmem>>) target_semaphore(%run_scoped3A : memref<!tpu.dma_semaphore, #tpu.memory_space<semaphore_mem>>)
      %dma_wait3A = arith.constant 0 : i32
      %dma_wait3A_15 = tpu.memref_slice %arg6[%dma_wait3A] : memref<5024xi32, #tpu.memory_space<vmem>> -> memref<5000xi32, #tpu.memory_space<vmem>>
      %dma_wait3A_16 = tpu.memref_slice %arg3[%mul3A_2] : memref<160000xi32, #tpu.memory_space<hbm>> -> memref<5000xi32, #tpu.memory_space<hbm>>
      %dma_wait3A_17 = arith.constant 0 : i32
      %dma_wait3A_18 = tpu.memref_slice %arg6[%dma_wait3A_17] : memref<5024xi32, #tpu.memory_space<vmem>> -> memref<5000xi32, #tpu.memory_space<vmem>>
      %dma_wait3A_19 = tpu.memref_slice %arg3[%mul3A_2] : memref<160000xi32, #tpu.memory_space<hbm>> -> memref<5000xi32, #tpu.memory_space<hbm>>
      tpu.wait_dma2 semaphore(%run_scoped3A : memref<!tpu.dma_semaphore, #tpu.memory_space<semaphore_mem>>) src(%dma_wait3A_19 : memref<5000xi32, #tpu.memory_space<hbm>>) dst(%dma_wait3A_18 : memref<5000xi32, #tpu.memory_space<vmem>>)
      tpu.yield
    }) : () -> ()
    %broadcast_in_dim3A = arith.constant 0 : i32
    %broadcast_in_dim3A_3 = vector.broadcast %broadcast_in_dim3A : i32 to vector<16xi32>
    %swap3A = arith.constant 5000 : index
    %swap3A_4 = tpu.vector_load %arg6[%swap3A] {strides = array<i32>} : memref<5024xi32, #tpu.memory_space<vmem>>, vector<16xi32>,
    tpu.vector_store %arg6[%swap3A], %broadcast_in_dim3A_3 {strides = array<i32>} : memref<5024xi32, #tpu.memory_space<vmem>>, vector<16xi32>,
    %scan3A = arith.constant 0 : i32
    %scan3A_5 = arith.constant 0 : i32
    %scan3A_6 = arith.constant 313 : i32
    %scan3A_7 = arith.addi %scan3A_5, %scan3A_6 : i32
    %scan3A_8 = arith.constant 1 : i32
    scf.for %scan3A_10 = %scan3A_5 to %scan3A_7 step %scan3A_8  : i32 {
      %mul3A_11 = arith.constant 16 : i32
      %mul3A_12 = arith.muli %scan3A_10, %mul3A_11 : i32
      %get3A = arith.index_cast %mul3A_12 : i32 to index
      %get3A_13 = tpu.vector_load %arg6[%get3A] {strides = array<i32>} : memref<5024xi32, #tpu.memory_space<vmem>>, vector<16xi32>,
      %gather3A = tpu.vector_load_idx %arg5[%get3A_13] : memref<10000xi32, #tpu.memory_space<vmem>>[vector<16xi32>], vector<16xi32>,
      %mul3A_14 = arith.constant 16 : i32
      %mul3A_15 = arith.muli %scan3A_10, %mul3A_14 : i32
      %swap3A_16 = arith.index_cast %mul3A_15 : i32 to index
      %swap3A_17 = tpu.vector_load %arg7[%swap3A_16] {strides = array<i32>} : memref<5024xi32, #tpu.memory_space<vmem>>, vector<16xi32>,
      tpu.vector_store %arg7[%swap3A_16], %gather3A {strides = array<i32>} : memref<5024xi32, #tpu.memory_space<vmem>>, vector<16xi32>,
    }
    %scan3A_9 = arith.constant 313 : i32
    "tpu.region"() ({
      %run_scoped3A = tpu.sem_alloc : memref<!tpu.dma_semaphore, #tpu.memory_space<semaphore_mem>>
      %dma_start3A = arith.constant 0 : i32
      %dma_start3A_10 = tpu.memref_slice %arg7[%dma_start3A] : memref<5024xi32, #tpu.memory_space<vmem>> -> memref<5000xi32, #tpu.memory_space<vmem>>
      %dma_start3A_11 = tpu.memref_slice %arg4[%mul3A_2] : memref<160000xi32, #tpu.memory_space<hbm>> -> memref<5000xi32, #tpu.memory_space<hbm>>
      %dma_start3A_12 = tpu.memref_slice %arg4[%mul3A_2] : memref<160000xi32, #tpu.memory_space<hbm>> -> memref<5000xi32, #tpu.memory_space<hbm>>
      %dma_start3A_13 = arith.constant 0 : i32
      %dma_start3A_14 = tpu.memref_slice %arg7[%dma_start3A_13] : memref<5024xi32, #tpu.memory_space<vmem>> -> memref<5000xi32, #tpu.memory_space<vmem>>
      tpu.enqueue_dma source(%dma_start3A_14 : memref<5000xi32, #tpu.memory_space<vmem>>) target(%dma_start3A_12 : memref<5000xi32, #tpu.memory_space<hbm>>) target_semaphore(%run_scoped3A : memref<!tpu.dma_semaphore, #tpu.memory_space<semaphore_mem>>)
      %dma_wait3A = arith.constant 0 : i32
      %dma_wait3A_15 = tpu.memref_slice %arg7[%dma_wait3A] : memref<5024xi32, #tpu.memory_space<vmem>> -> memref<5000xi32, #tpu.memory_space<vmem>>
      %dma_wait3A_16 = tpu.memref_slice %arg4[%mul3A_2] : memref<160000xi32, #tpu.memory_space<hbm>> -> memref<5000xi32, #tpu.memory_space<hbm>>
      %dma_wait3A_17 = tpu.memref_slice %arg4[%mul3A_2] : memref<160000xi32, #tpu.memory_space<hbm>> -> memref<5000xi32, #tpu.memory_space<hbm>>
      %dma_wait3A_18 = arith.constant 0 : i32
      %dma_wait3A_19 = tpu.memref_slice %arg7[%dma_wait3A_18] : memref<5024xi32, #tpu.memory_space<vmem>> -> memref<5000xi32, #tpu.memory_space<vmem>>
      tpu.wait_dma2 semaphore(%run_scoped3A : memref<!tpu.dma_semaphore, #tpu.memory_space<semaphore_mem>>) src(%dma_wait3A_19 : memref<5000xi32, #tpu.memory_space<vmem>>) dst(%dma_wait3A_17 : memref<5000xi32, #tpu.memory_space<hbm>>)
      tpu.yield
    }) : () -> ()
    return
  }
}

module attributes {stable_mosaic.version = 14 : i64} {
  func.func @_expand_tc_body(%arg0: i32, %arg1: memref<1x1x6400xi32, #tpu.memory_space<vmem>>, %arg2: memref<94x37xf32, #tpu.memory_space<vmem>>, %arg3: memref<37x16x6400xf32, #tpu.memory_space<vmem>>) attributes {dimension_semantics = [#tpu.dimension_semantics<arbitrary>], iteration_bounds = array<i64: 25>, scalar_prefetch = 0 : i64, scratch_operands = 0 : i64, tpu.core_type = #tpu.core_type<tc>, window_params = [{transform_indices = @transform_0, window_bounds = array<i64: 1, 1, 6400>}, {pipeline_mode = #tpu.pipeline_mode<synchronous>, transform_indices = @transform_1, window_bounds = array<i64: 94, 37>}, {transform_indices = @transform_2, window_bounds = array<i64: 37, 16, 6400>}]} {
    %get3A = arith.constant 0 : index
    %get3A_0 = arith.constant 0 : index
    %get3A_1 = arith.constant 0 : index
    %get3A_2 = vector.load %arg1[%get3A, %get3A_0, %get3A_1] : memref<1x1x6400xi32, #tpu.memory_space<vmem>>, vector<1x1x6400xi32>
    %get3A_3 = vector.shape_cast %get3A_2 : vector<1x1x6400xi32> to vector<1x6400xi32>
    %broadcast_in_dim3A = vector.shape_cast %get3A_3 : vector<1x6400xi32> to vector<1x6400xi32>
    %broadcast_in_dim3A_4 = vector.broadcast %broadcast_in_dim3A : vector<1x6400xi32> to vector<94x6400xi32>
    %iota3A = tpu.iota {dimensions = array<i32: 0>} : vector<94x6400xi32>
    %eq3A = arith.cmpi eq, %broadcast_in_dim3A_4, %iota3A : vector<94x6400xi32>
    %convert_element_type3A = arith.extui %eq3A : vector<94x6400xi1> to vector<94x6400xi32>
    %convert_element_type3A_5 = arith.sitofp %convert_element_type3A : vector<94x6400xi32> to vector<94x6400xf32>
    %convert_element_type3A_6 = arith.truncf %convert_element_type3A_5 : vector<94x6400xf32> to vector<94x6400xbf16>
    %get3A_7 = arith.constant 0 : index
    %get3A_8 = arith.constant 0 : index
    %get3A_9 = vector.load %arg2[%get3A_7, %get3A_8] : memref<94x37xf32, #tpu.memory_space<vmem>>, vector<94x37xf32>
    %convert_element_type3A_10 = arith.truncf %get3A_9 : vector<94x37xf32> to vector<94x37xbf16>
    %dot_general3A = arith.constant dense<0.000000e+00> : vector<37x6400xf32>
    %dot_general3A_11 = tpu.matmul %convert_element_type3A_10, %convert_element_type3A_6, %dot_general3A {dimension_numbers = #tpu.dot_dimension_numbers<[0], [0], [1], [1], [0, 1, 1, 1], [], []>, transpose_lhs_hint = false} : vector<94x37xbf16>, vector<94x6400xbf16>, vector<37x6400xf32> -> vector<37x6400xf32>
    %broadcast_in_dim3A_12 = vector.shape_cast %dot_general3A_11 : vector<37x6400xf32> to vector<37x1x6400xf32>
    %broadcast_in_dim3A_13 = vector.shape_cast %broadcast_in_dim3A_12 : vector<37x1x6400xf32> to vector<37x1x6400xf32>
    %broadcast_in_dim3A_14 = vector.broadcast %broadcast_in_dim3A_13 : vector<37x1x6400xf32> to vector<37x16x6400xf32>
    %swap3A = arith.constant 0 : index
    %swap3A_15 = arith.constant 0 : index
    %swap3A_16 = arith.constant 0 : index
    %swap3A_17 = vector.load %arg3[%swap3A, %swap3A_15, %swap3A_16] : memref<37x16x6400xf32, #tpu.memory_space<vmem>>, vector<37x16x6400xf32>
    tpu.vector_store %arg3[%swap3A, %swap3A_15, %swap3A_16], %broadcast_in_dim3A_14 {strides = array<i32>} : memref<37x16x6400xf32, #tpu.memory_space<vmem>>, vector<37x16x6400xf32>,
    return
  }
  func.func @transform_0(%arg0: i32) -> (i32, i32, i32) {
    %c0_i32 = arith.constant 0 : i32
    %c0_i32_0 = arith.constant 0 : i32
    %c0_i32_1 = arith.constant 0 : i32
    return %arg0, %c0_i32, %c0_i32_0 : i32, i32, i32
  }
  func.func @transform_1(%arg0: i32) -> (i32, i32) {
    %c0_i32 = arith.constant 0 : i32
    %c0_i32_0 = arith.constant 0 : i32
    %c0_i32_1 = arith.constant 0 : i32
    return %c0_i32, %c0_i32_0 : i32, i32
  }
  func.func @transform_2(%arg0: i32) -> (i32, i32, i32) {
    %c0_i32 = arith.constant 0 : i32
    %c0_i32_0 = arith.constant 0 : i32
    %c0_i32_1 = arith.constant 0 : i32
    return %c0_i32, %c0_i32_0, %arg0 : i32, i32, i32
  }
}

</mosaic_0001>

<sc_bundles>
// kernel: kernel.4.cloned.1.call-start
scs
__scs_entry_jumppad:
0x0: {  	(pc) =	sbr.rel $0x88, $3  }
0x1: {  	(tag) =	ssettag $0x0;
	lr =	simm.s32 $0x1  }
0x2: {  	[smem:$0x3F9E] =	sst lr;
	_ =	strace $0xD0000000  }
0x3: {  	_ = 	snop  }
0x4: {  	_ = 	snop  }
0x5: {  	_ = 	snop  }
0x6: {  	_ = 	snop  }
0x7: {  	_ = 	snop  }
__scs_overlays_trampoline_lowered:
0x8: {  	[smem:$0x3FAD] =	sst s0  }
0x9: {  	[smem:$0x3FAE] =	sst s1  }
0xa: {  	[smem:$0x3FAF] =	sst s2  }
0xb: {  	[smem:$0x3FB0] =	sst s3  }
0xc: {  	[smem:$0x3FB1] =	sst s4  }
0xd: {  	[smem:$0x3FB2] =	sst s5  }
0xe: {  	[smem:$0x3FB3] =	sst s6  }
0xf: {  	[smem:$0x3FB4] =	sst s7  }
0x10: {  	[smem:$0x3FB5] =	sst s8  }
0x11: {  	[smem:$0x3FB6] =	sst s9;
	s0 =	simm.s32 @!p0 $0x0  }
0x12: {  	s1 =	sld [smem:$0x3F9C];
	s0 =	simm.s32 @p0 $0x1  }
0x13: {  	[smem:$0x3FB7] =	sst s0;
	s0 =	simm.s32 @!p1 $0x0  }
0x14: {  	s2 =	sld [smem:$0x3F9B];
	s0 =	simm.s32 @p1 $0x1  }
0x15: {  	[smem:$0x3FB8] =	sst s0;
	s0 =	simm.s32 @!p2 $0x0  }
0x16: {  	s3 =	sld [smem:$0x3FDB];
	s0 =	simm.s32 @p2 $0x1  }
0x17: {  	s4 =	simm.s32 $0x1BF5;
	[smem:$0x3FBA] =	sst s0  }
0x18: {  	s0 =	sld [smem:$0x3F9D];
	_ =	swait.ge [sflag:s4], $0x0  }
0x19: {  	s7 =	sld [smem:$0x3F9E]  }
0x1a: {  	s8 =	sadd.s32 $0xFFFFE003, lr  }
0x1b: {  	s9 =	sadd.s32 $0xFFFFFEF7, lr;
	s5 =	simm.s32 $0xFFFFFFFF;
	p2 =	slt.u32 s8, $0xFFFFF086  }
0x1c: {  	p1 =	slt.u32 s9, $0xF7A;
	s5 =	simm.s32 @!p2 $0x0  }
0x1d: {  	s5 =	simm.s32 @p1 $0x1;
	p0 =	seq.s32 s7, s2  }
0x1e: {  	s7 =	smul.u32 @!p0 $0xF7A, s2;
	p2 =	seq.s32 @!p0 s5, $0x0  }
0x1f: {  	s9 =	smul.u32 $0xF7A, s1;
	s8 =	simm.s32 @!p0 $0x1BF5;
	p2 =	por !p2, p0  }
0x20: {  	[sflag:s8] =	ssyncset.s32 @!p0 $0xFFFFF086;
	s6 =	sadd.s32 @!p0 s3, s7;
	s7 =	simm.s32 @!p0 $0x108  }
0x21: {  	s3 =	sadd.s32 s3, s9;
	s6 =	sadd.s32 @!p0 $0x88, s6;
	s7 =	simm.s32 @p2 $0x1082  }
0x22: {  	[simem:s7], [sflag:s8] =	dma.local @!p0 [hbm:s6], $0xF7A  }
0x23: {  	s9 =	sor.u32 $0xD0000000, s2;
	s6 =	simm.s32 $0x108;
	_ =	swait.ge @!p0 [sflag:s8], $0x0  }
0x24: {  	s3 =	sadd.s32 $0x88, s3;
	s6 =	simm.s32 @!p1 $0x1082;
	[sflag:s4] =	ssyncset.s32 $0xFFFFF086  }
0x25: {  	[simem:s6], [sflag:s4] =	dma.local [hbm:s3], $0xF7A  }
0x26: {  	[smem:$0x3F9E] =	sst s1;
	(tag) =	ssettag s2;
	_ =	strace s9  }
0x27: {  	s1 =	sld [smem:$0x3FAE]  }
0x28: {  	s2 =	sld [smem:$0x3FAF]  }
0x29: {  	s4 =	sld [smem:$0x3FB1]  }
0x2a: {  	p0 =	seq.s32 s5, $0x0;
	s5 =	sld [smem:$0x3FB2]  }
0x2b: {  	s6 =	sld [smem:$0x3FB3]  }
0x2c: {  	s7 =	sld [smem:$0x3FB4]  }
0x2d: {  	s3 =	simm.s32 $0x108;
	s8 =	sld [smem:$0x3FB5]  }
0x2e: {  	s3 =	simm.s32 @!p0 $0x1082;
	s9 =	sld [smem:$0x3FB6]  }
0x2f: {  	lr =	sadd.s32 s0, s3;
	s0 =	sld [smem:$0x3FAD]  }
0x30: {  	s3 =	sld [smem:$0x3FB0]  }
0x31: {  	[smem:$0x3FB9] =	sst s10  }
0x32: {  	s10 =	sld [smem:$0x3FB7];
	_ =	sdelay $0x3  }
0x33: {  	p0 =	seq.s32 s10, $0x1;
	s10 =	sld [smem:$0x3FB9];
	_ =	sdelay $0x3  }
0x34: {  	[smem:$0x3FB9] =	sst s10  }
0x35: {  	s10 =	sld [smem:$0x3FB8];
	_ =	sdelay $0x3  }
0x36: {  	p1 =	seq.s32 s10, $0x1;
	s10 =	sld [smem:$0x3FB9];
	_ =	sdelay $0x3  }
0x37: {  	[smem:$0x3FB9] =	sst s10  }
0x38: {  	s10 =	sld [smem:$0x3FBA]  }
0x39: {  	_ = 	snop;
	(pc) =	sbr.ind lr, $3  }
0x3a: {  	_ = 	snop  }
0x3b: {  	_ = 	snop  }
0x3c: {  	p2 =	seq.s32 s10, $0x1;
	s10 =	sld [smem:$0x3FB9]  }
0x3d: {  	_ =	shalt  }
0x3e: {  	_ =	shalt  }
0x3f: {  	_ =	shalt  }
0x40: {  	_ =	shalt  }
0x41: {  	_ =	shalt  }
0x42: {  	_ =	shalt  }
0x43: {  	_ =	shalt  }
0x44: {  	_ =	shalt  }
0x45: {  	_ =	shalt  }
0x46: {  	_ =	shalt  }
0x47: {  	_ =	shalt  }
0x48: {  	_ =	shalt  }
0x49: {  	_ =	shalt  }
0x4a: {  	_ =	shalt  }
0x4b: {  	_ =	shalt  }
0x4c: {  	_ =	shalt  }
0x4d: {  	_ =	shalt  }
0x4e: {  	_ =	shalt  }
0x4f: {  	_ =	shalt  }
0x50: {  	_ =	shalt  }
0x51: {  	_ =	shalt  }
0x52: {  	_ =	shalt  }
0x53: {  	_ =	shalt  }
0x54: {  	_ =	shalt  }
0x55: {  	_ =	shalt  }
0x56: {  	_ =	shalt  }
0x57: {  	_ =	shalt  }
0x58: {  	_ =	shalt  }
0x59: {  	_ =	shalt  }
0x5a: {  	_ =	shalt  }
0x5b: {  	_ =	shalt  }
0x5c: {  	_ =	shalt  }
0x5d: {  	_ =	shalt  }
0x5e: {  	_ =	shalt  }
0x5f: {  	_ =	shalt  }
0x60: {  	_ =	shalt  }
0x61: {  	_ =	shalt  }
0x62: {  	_ =	shalt  }
0x63: {  	_ =	shalt  }
0x64: {  	_ =	shalt  }
0x65: {  	_ =	shalt  }
0x66: {  	_ =	shalt  }
0x67: {  	_ =	shalt  }
0x68: {  	_ =	shalt  }
0x69: {  	_ =	shalt  }
0x6a: {  	_ =	shalt  }
0x6b: {  	_ =	shalt  }
0x6c: {  	_ =	shalt  }
0x6d: {  	_ =	shalt  }
0x6e: {  	_ =	shalt  }
0x6f: {  	_ =	shalt  }
0x70: {  	_ =	shalt  }
0x71: {  	_ =	shalt  }
0x72: {  	_ =	shalt  }
0x73: {  	_ =	shalt  }
0x74: {  	_ =	shalt  }
0x75: {  	_ =	shalt  }
0x76: {  	_ =	shalt  }
0x77: {  	_ =	shalt  }
0x78: {  	_ =	shalt  }
0x79: {  	_ =	shalt  }
0x7a: {  	_ =	shalt  }
0x7b: {  	_ =	shalt  }
0x7c: {  	_ =	shalt  }
0x7d: {  	_ =	shalt  }
0x7e: {  	_ =	shalt  }
0x7f: {  	_ =	shalt  }
0x80: {  	_ =	shalt  }
0x81: {  	_ =	shalt  }
0x82: {  	_ =	shalt  }
0x83: {  	_ =	shalt  }
0x84: {  	_ =	shalt  }
0x85: {  	_ =	shalt  }
0x86: {  	_ =	shalt  }
0x87: {  	_ =	shalt  }
.Lfunc_end0:
.L_simem_size_0:
called_computation_lowered:
.L_overlay_start_0:
0x88: {  	s2 =	sld [smem:$0x3FD9]  }
0x89: {  	s3 =	sld [smem:$0x3FFE];
	_ =	sdelay $0x1  }
0x8a: {  	s1 =	srdreg.scid  }
0x8b: {  	s0 =	sand.u32 $0x1, s1  }
0x8c: {  	s18 =	sshll.u32 s0, $0xA;
	s2 =	sadd.s32 s3, s2  }
0x8d: {  	s2 =	sadd.s32 s2, s18  }
0x8e: {  	[smem:$0x3FC5] =	sst s2  }
0x8f: {  	_ = 	snop  }
0x90: {  	s2 =	sld [smem:$0x3FC9]  }
0x91: {  	s19 =	sld [smem:$0x3FC8]  }
0x92: {  	s4 =	sld [smem:$0x3FD0];
	(tm) =	ssettm $0x1  }
0x93: {  	s5 =	sld [smem:$0x3FFB];
	_ =	sdelay $0x3  }
0x94: {  	_ =	strace s5  }
0x95: {  	s5 =	sld [smem:$0x3FFC];
	_ =	sdelay $0x3  }
0x96: {  	_ =	strace s5  }
0x97: {  	s5 =	sld [smem:$0x3FFD];
	_ =	sdelay $0x3  }
0x98: {  	_ =	strace s5  }
0x99: {  	_ =	strace $0x8FFFFFFF  }
0x9a: {  	s20 =	sld [smem:$0x3FDB];
	_ =	sdelay $0x1  }
0x9b: {  	s6 =	simm.s32 $_scs_section_size  }
0x9c: {  	s7 =	simm.s32 $_size__tile_overlayer_lowered;
	s8 =	simm.s32 $_tile_overlayer_lowered  }
0x9d: {  	s23 =	simm.s32 $0x1BFF;
	s22 =	sshll.u32 s8, $0x1;
	s5 =	sadd.s32 s6, s20  }
0x9e: {  	s9 =	simm.s32 $0x0;
	s21 =	sshll.u32 s7, $0x1;
	s7 =	sadd.s32 s22, s5  }
0x9f: {  	[timem:s9], [sflag:s23] =	dma.local [hbm:s7], s21  }
0xa0: {  	_ =	swait.ge [sflag:s23], s21  }
0xa1: {  	s6 =	ssub.s32 $0x0, s21;
	[sflag:s23] =	ssyncset.done $0x0  }
0xa2: {  	[sflag:s23] =	ssyncadd.s32 s6;
	_ =	sdelay $0x1  }
0xa3: {  	s24 =	simm.s32 $0x1B8B  }
0xa4: {  	_ =	swait.ge [sflag:s24], $0x1  }
0xa5: {  	[sflag:s24] =	ssyncset.done $0x0  }
0xa6: {  	s25 =	simm.s32 $0x1B8E;
	[sflag:s24] =	ssyncadd.s32 $0xFFFFFFFF  }
0xa7: {  	s26 =	simm.s32 $execute0_lowered;
	[smem:$0x3FD2] =	sst s25  }
0xa8: {  	s6 =	sshll.u32 s26, $0x1;
	_ =	strace $0x80000046;
	[dreg:$0x1] =	wrdreg $0xFFFFFFFF  }
0xa9: {  	s28 =	simm.s32 $_size_execute0_lowered;
	s5 =	sadd.s32 s5, s6;
	[dreg:$0x0] =	wrdreg $0x0  }
0xaa: {  	s6 =	sshll.u32 s28, $0x1;
	[dreg:$0x2] =	wrdreg s5  }
0xab: {  	[dreg:$0x3] =	wrdreg s6  }
0xac: {  	[dreg:$0x4] =	wrdreg $0xC0  }
0xad: {  	_ =	task [dreg:s9], $0x5FFFF  }
0xae: {  	[dreg:$0x1] =	wrdreg $0xFFFFFFFF  }
0xaf: {  	[dreg:$0x0] =	wrdreg $0x60  }
0xb0: {  	[dreg:$0x2] =	wrdreg s2  }
0xb1: {  	[dreg:$0x3] =	wrdreg s19  }
0xb2: {  	[dreg:$0x4] =	wrdreg s4  }
0xb3: {  	[dreg:$0x5] =	wrdreg $0x9  }
0xb4: {  	_ =	task.clear_ibuf [dreg:s9], $0x6FFFF;
	_ =	strace $0x90000046  }
0xb5: {  	s29 =	simm.s32 $0x9;
	_ =	strace $0x80000048  }
0xb6: {  	_ =	swait.ge [sflag:s29], $0x1  }
0xb7: {  	[sflag:s29] =	ssyncadd.s32 $0xFFFFFFFF  }
0xb8: {  	_ =	strace $0x90000048  }
0xb9: {  	_ =	sfence  }
0xba: {  	s30 =	sld [smem:$0x0];
	_ =	sdelay $0x2  }
0xbb: {  	s31 =	sshll.u32 s1, $0xD;
	s1 =	sshrl.u32 s1, $0x2  }
0xbc: {  	s3 =	sand.u32 $0x4000, s31;
	s1 =	sadd.s32 s1, s30  }
0xbd: {  	s0 =	sor.u32 s3, s0;
	s1 =	sshll.u32 s1, $0x11  }
0xbe: {  	s0 =	sor.u32 s1, s0  }
0xbf: {  	s0 =	sadd.s32 $0x8F2B, s0  }
0xc0: {  	[sflag:s0] =	ssyncadd.remote.s32 $0x1  }
0xc1: {  	_ =	sfence.sel $0xFFFF  }
0xc2: {  	[dreg:$0x0] =	wrdreg $0xFFFFFFFF;
	(pc) =	sbr.abs _section_cstart, $3  }
0xc3: {  	[dreg:$0x1] =	wrdreg $0xFFFFFFFF  }
0xc4: {  	_ =	task.clear_ibuf [dreg:s9], $0x2FFFF;
	_ =	strace $0x9FFFFFFF  }
0xc5: {  	(tm) =	ssettm $0x7FFFFFFF  }
tec
execute0_lowered:
.L_overlay_start_1:
0x0: {  	(tag) =	ssettag $0x1  }
0x1: {  	s1 =	rddreg [dreg:$0x0]  }
0x2: {  	s4 =	rddreg [dreg:$0x1];
	s2 =	srdreg.scid  }
0x3: {  	s0 =	stileid.u32;
	s5 =	rddreg [dreg:$0x2]  }
0x4: {  	s9 =	simm.s32 $0x3B80;
	s6 =	sand.u32 $0x1, s2;
	s3 =	sshll.u32 s0, $0x1  }
0x5: {  	s10 =	simm.s32 $0x0;
	s7 =	sor.u32 s6, s3;
	s3 =	simm.s32 $0x0  }
0x6: {  	s6 =	ssub.s32 $0x2, s6;
	s7 =	smul.u32 $0x271, s7;
	[smem:$0x7FF] =	sst s3  }
0x7: {  	s2 =	rddreg [dreg:$0x3];
	s8 =	sshrl.u32 s6, $0x1;
	_ =	strace $0x80000047  }
0x8: {  	s6 =	ssub.s32 s6, s8;
	s8 =	simm.s32 $0x2780;
	s4 =	sadd.s32 s4, s7  }
0x9: {  	v0 =	vimm.s32 $0x0;
	s5 =	sadd.s32 s5, s7;
	s6 =	smax.u32 s6, $0x1;
	s7 =	simm.s32 $0x1  }
.LBB2_1:
0xa: {  	[tilespmem:s3], [sflag:$0x1] =	stream.linear.gather [hbm4b:s1+s3], $0x2780, $0x38;
	[tilespmem:$0x4F80] =	vst v63  }
0xb: {  	_ =	swait.ge [sflag:s7], $0x2780  }
0xc: {  	[sflag:s7] =	ssyncset.done $0x0  }
0xd: {  	[sflag:s7] =	ssyncadd.s32 $0xFFFFD880  }
0xe: {  	[tilespmem:s8], [sflag:$0x1] =	stream.linear.gather [hbm4b:s4+s3], $0x1388, $0x38;
	[tilespmem:$0x4F80] =	vst v63  }
0xf: {  	_ =	swait.ge [sflag:s7], $0x1388  }
0x10: {  	[sflag:s7] =	ssyncset.done $0x0  }
0x11: {  	[sflag:s7] =	ssyncadd.s32 $0xFFFFEC78  }
0x12: {  	s11 =	simm.s32 $0x0;
	[tilespmem:$0x3B08] =	vst v0  }
0x13: {  	v1 =	vld [tilespmem:s11+$0x2780];
	_ =	sdelay $0x7  }
0x14: {  	s12 =	simm.s32 $0x10;
	s13 =	simm.s32 $0x80;
	v1 =	vld.idx.msk [tilespmem:v1+s3+$0x0], $0xffff  }
.LBB2_2:
0x15: {  	p0 =	sne.s32 s13, $0x4E00;
	v2 =	vld [tilespmem:s12+$0x2780];
	_ =	sdelay $0x3  }
.Ltmp0:
0x16: {  	(pc) =	sbr.rel @p0 .LBB2_2-.Ltmp0, $2  }
0x17: {  	[tilespmem:s11+$0x3B80] =	vst v1;
	s11 =	smov.u32 s12;
	_ =	sdelay $0x2  }
0x18: {  	s12 =	sshra.s32 s13, $0x2;
	s13 =	sadd.s32 $0x40, s13;
	v1 =	vld.idx.msk [tilespmem:v2+s3+$0x0], $0xffff  }
0x19: {  	v2 =	vld [tilespmem:s12+$0x2780];
	_ =	sdelay $0x6  }
0x1a: {  	[tilespmem:s11+$0x3B80] =	vst v1  }
0x1b: {  	v1 =	vld.idx.msk [tilespmem:v2+s3+$0x0], $0xffff;
	_ =	sdelay $0x2  }
0x1c: {  	s10 =	sadd.s32 $0x1, s10  }
0x1d: {  	p0 =	sne.s32 s10, s6  }
.Ltmp1:
0x1e: {  	[tilespmem:s12+$0x3B80] =	vst v1;
	(pc) =	sbr.rel @p0 .LBB2_1-.Ltmp1, $4  }
0x1f: {  	[hbm4b:s5+s3] =	stream.linear.scatter [tilespmem:s9], [sflag:$0x1], $0x1388, $0x38;
	[tilespmem:$0x4F80] =	vst v63  }
0x20: {  	_ =	swait.ge [sflag:s7], $0x1388  }
0x21: {  	[sflag:s7] =	ssyncset.done $0x0  }
0x22: {  	[sflag:s7] =	ssyncadd.s32 $0xFFFFEC78  }
0x23: {  	_ =	sfence.sel $0x180000  }
0x24: {  	[bflag:$0x0] =	sbarrier.arrive $0xFFFF  }
0x25: {  	p0 =	sne.s32 s0, $0x0;
	_ =	strace $0x90000047  }
0x26: {  	s0 =	sadd.s32 @!p0 $0x100000, s2;
	[bflag:$0x2] =	sbarrier.arrive $0xFFFF  }
0x27: {  	[sflag:s0] =	ssyncadd.tile.s32 @!p0 $0x1;
	_ =	shalt  }
.Lfunc_end2:
_tile_overlayer_lowered:
.L_overlay_start_2:
0x28: {  	(tag) =	ssettag $0x2  }
0x29: {  	s0 =	rddreg [dreg:$0x0];
	s2 =	stileid.u32  }
0x2a: {  	s1 =	rddreg [dreg:$0x1];
	p0 =	sne.s32 s2, $0x0  }
0x2b: {  	s3 =	rddreg [dreg:$0x2];
	[bflag:$0x3] =	sbarrier.arrive $0xFFFF;
	s2 =	simm.s32 @!p0 $0x1C01  }
0x2c: {  	[timem:s3], [sflag:s2] =	dma.local @!p0 [hbm:s0], s1  }
0x2d: {  	s0 =	simm.s32 @!p0 $0x1  }
0x2e: {  	_ =	swait.ge @!p0 [sflag:s0], s1  }
0x2f: {  	s1 =	ssub.s32 @!p0 $0x0, s1;
	[sflag:s0] =	ssyncset.done @!p0 $0x0  }
0x30: {  	[sflag:s0] =	ssyncadd.s32 @!p0 s1  }
0x31: {  	[bflag:$0x3] =	sbarrier.arrive $0xFFFF  }
0x32: {  	_ =	shalt  }

</sc_bundles>
